<compile_context>
chip_gen: v7x
topology: tpu7x:2x2x1
jax: 0.10.2.dev20260603
libtpu: 0.0.44.dev20260713+nightly
codegen_flags: <defaults>
</compile_context>

<pallas_src>
import numpy as np
import jax
import jax.numpy as jnp
from jax.experimental import pallas as pl
from jax.experimental.pallas import tpu as pltpu

P_ = 8
OBS_ = 8
TS_ = 4
DH_ = 64
N_ = 64
BB_ = 8


def _center_haar_matrix() -> np.ndarray:
    C = np.eye(16, dtype=np.float64)
    for c in range(2):
        for f in range(8):
            C[14 + c, f * 2 + c] -= 1.0
    s = float(np.float32(np.sqrt(2.0)))
    H = np.zeros((16, 16), dtype=np.float64)
    for t in range(4):
        for c in range(2):
            H[(2 * t) * 2 + c, t * 4 + c] = 1.0 / s
            H[(2 * t + 1) * 2 + c, t * 4 + c] = 1.0 / s
            H[(2 * t) * 2 + c, t * 4 + (c + 2)] = 1.0 / s
            H[(2 * t + 1) * 2 + c, t * 4 + (c + 2)] = -1.0 / s
    return (C @ H).astype(np.float32).reshape(16, 4, 4)


_M3 = _center_haar_matrix()


def _rl_kernel(xe_ref, xn_ref, xg_ref, A_ref, bte_ref, W1_ref, b1_ref,
               W2_ref, b2_ref, Wce_ref, bce_ref, fre_ref, rem_ref):
    BB = xe_ref.shape[0]
    R = BB * N_
    bf16 = jnp.bfloat16
    f32 = jnp.float32

    Ab = A_ref[...].astype(bf16)
    bte = bte_ref[...]
    W1 = W1_ref[...].astype(bf16)
    W2 = W2_ref[...].astype(bf16)
    b1 = b1_ref[...]
    b2 = b2_ref[...]
    Wce = Wce_ref[...]
    bce = bce_ref[...]
    xn = xn_ref[...]
    xg = xg_ref[...]

    fe = jnp.maximum(
        jnp.dot(xe_ref[...].astype(bf16), Ab, preferred_element_type=f32) + bte, 0.0)
    fn = jnp.maximum(
        jnp.dot(xn.astype(bf16), Ab, preferred_element_type=f32) + bte, 0.0)
    f = (fn.reshape(BB, N_, TS_ * DH_) * fe[:, None, :]).reshape(R, TS_ * DH_)

    two_pi = 2.0 * np.pi
    c0 = xg[:, 0:TS_]
    c1 = xg[:, TS_:2 * TS_]
    dist = jnp.sqrt(c0 * c0 + c1 * c1)
    ang = jnp.arctan2(c0, c1)
    ang = jnp.where(ang < 0.0, ang + two_pi, ang)
    pid = (ang / (2.0 * np.pi / P_)).astype(jnp.int32)
    nonself = (xn[:, 14:15] + xn[:, 15:16]) != 0.0
    ok = jnp.logical_and((c0 + c1) != 0.0, nonself)
    pid = jnp.where(ok, pid, -1)

    rowb = jax.lax.broadcasted_iota(jnp.int32, (R, 1), 0) // N_
    colio = jax.lax.broadcasted_iota(jnp.int32, (R, P_ * BB), 1)
    ones_col = jnp.ones((R, 1), f32)

    for t in range(TS_):
        ft = f[:, t * DH_:(t + 1) * DH_]
        h = jnp.maximum(
            jnp.dot(ft.astype(bf16), W1, preferred_element_type=f32) + b1, 0.0)
        frt = jnp.maximum(
            jnp.dot(h.astype(bf16), W2, preferred_element_type=f32) + b2, 0.0)
        fre_ref[:, t, :] = frt

        pid_t = pid[:, t:t + 1]
        col = jnp.where(pid_t >= 0, rowb * P_ + pid_t, -1)
        onehot = colio == col
        G = jnp.concatenate(
            [frt, dist[:, t:t + 1], ang[:, t:t + 1], ones_col], axis=1)
        S = jax.lax.dot_general(
            onehot.astype(bf16), G.astype(bf16),
            (((0,), (0,)), ((), ())), preferred_element_type=f32)

        n = S[:, DH_ + 2:DH_ + 3] + 0.0001
        rp = S[:, :DH_] / n
        pos_d = S[:, DH_:DH_ + 1] / n
        pos_a = S[:, DH_ + 1:DH_ + 2] / n
        fp = jnp.maximum(pos_d * Wce[0:1, :] + pos_a * Wce[1:2, :] + bce, 0.0)
        row = jnp.concatenate([rp, fp], axis=1)
        rem_ref[:, t * P_:(t + 1) * P_, :] = row.reshape(BB, P_, 2 * DH_)


@jax.jit
def kernel(x_ego_2d, x_nei_2d, W_te, b_te, W_fc1, b_fc1, W_fc2, b_fc2, W_ce, b_ce):
    B = x_ego_2d.shape[0]
    f32 = jnp.float32
    BN = B * N_

    xe = x_ego_2d.reshape(B, OBS_ * 2)
    xn = x_nei_2d.reshape(BN, OBS_ * 2)
    xg = jnp.concatenate(
        [x_nei_2d[:, :, ::2, 0], x_nei_2d[:, :, ::2, 1]], axis=-1
    ).reshape(BN, 2 * TS_)
    A = jnp.einsum('itc,cd->itd', jnp.asarray(_M3), W_te).reshape(16, TS_ * DH_)
    bte = jnp.tile(b_te, TS_).reshape(1, TS_ * DH_)

    grid = (B // BB_,)
    full = lambda shape: pl.BlockSpec(shape, lambda i: (0,) * len(shape))
    fre, rem = pl.pallas_call(
        _rl_kernel,
        grid=grid,
        in_specs=[
            pl.BlockSpec((BB_, 16), lambda i: (i, 0)),
            pl.BlockSpec((BB_ * N_, 16), lambda i: (i, 0)),
            pl.BlockSpec((BB_ * N_, 2 * TS_), lambda i: (i, 0)),
            full((16, TS_ * DH_)),
            full((1, TS_ * DH_)),
            full((DH_, DH_)),
            full((1, DH_)),
            full((DH_, DH_)),
            full((1, DH_)),
            full((2, DH_)),
            full((1, DH_)),
        ],
        out_specs=[
            pl.BlockSpec((BB_ * N_, TS_, DH_), lambda i: (i, 0, 0)),
            pl.BlockSpec((BB_, TS_ * P_, 2 * DH_), lambda i: (i, 0, 0)),
        ],
        out_shape=[
            jax.ShapeDtypeStruct((BN, TS_, DH_), f32),
            jax.ShapeDtypeStruct((B, TS_ * P_, 2 * DH_), f32),
        ],
        compiler_params=pltpu.CompilerParams(
            dimension_semantics=("arbitrary",)),
    )(xe, xn, xg, A, bte, W_fc1, b_fc1.reshape(1, DH_), W_fc2,
      b_fc2.reshape(1, DH_), W_ce, b_ce.reshape(1, DH_))

    re_matrix = rem.reshape(B, TS_, P_, 2 * DH_)
    f_re = fre.reshape(B, N_, TS_, DH_)
    return (re_matrix, f_re)

# --- scband reference (transcript-rebuilt; emitter-appended) ---
"""Pipeline reference for scband-resonance-layer-43181601193992 (READ-ONLY COPY).

The authoritative reference and input builder live on the scoring server;
editing this copy changes nothing except your own understanding.
"""

import jax, jax.numpy as jnp
import numpy as np

PARTITIONS = 8
OBS = 8
D_H = 64
D = 128
B = 2048
N = 64


def haar(t):
    # Haar-like transform: (..., steps, c) -> (..., steps//2, 2c)
    a = t[..., 0::2, :]
    b = t[..., 1::2, :]
    s = np.sqrt(2.0).astype(np.float32)
    return jnp.concatenate([(a + b) / s, (a - b) / s], axis=-1)


def dense(x, W, bias):
    return jax.nn.relu(x @ W + bias)


def setup_inputs(seed: int = 0) -> dict:
    key = jax.random.key(seed)
    ks = jax.random.split(key, 8)
    return {
        "x_ego_2d": jax.random.normal(ks[0], (B, OBS, 2), dtype=jnp.float32),
        "x_nei_2d": jax.random.normal(ks[1], (B, N, OBS, 2), dtype=jnp.float32),
        "W_te": jax.random.normal(ks[2], (4, D_H), dtype=jnp.float32) * 0.1,
        "b_te": jnp.zeros((D_H,), dtype=jnp.float32),
        "W_fc1": jax.random.normal(ks[3], (D_H, D_H), dtype=jnp.float32) * 0.1,
        "b_fc1": jnp.zeros((D_H,), dtype=jnp.float32),
        "W_fc2": jax.random.normal(ks[4], (D_H, D // 2), dtype=jnp.float32) * 0.1,
        "b_fc2": jnp.zeros((D // 2,), dtype=jnp.float32),
        "W_ce": jax.random.normal(ks[5], (2, D // 2), dtype=jnp.float32) * 0.1,
        "b_ce": jnp.zeros((D // 2,), dtype=jnp.float32),
    }


def reference(x_ego_2d, x_nei_2d, W_te, b_te, W_fc1, b_fc1, W_fc2, b_fc2, W_ce, b_ce):
    # center trajectories on last frame
    x_ego_pure = (x_ego_2d - x_ego_2d[..., -1:, :])[..., None, :, :]   # (B,1,OBS,2)
    x_nei_pure = x_nei_2d - x_nei_2d[..., -1:, :]                      # (B,N,OBS,2)
    pack = jnp.concatenate([x_ego_pure, x_nei_pure], axis=-3)          # (B,1+N,OBS,2)

    # TrajEncoding: transform then Dense+ReLU
    f_pack = dense(haar(pack), W_te, b_te)                             # (B,1+N,Tsteps,D_H)
    f_ego = f_pack[..., :1, :, :]
    f_nei = f_pack[..., 1:, :, :]
    f = f_ego * f_nei                                                  # (B,N,Tsteps,D_H)
    f_re = dense(dense(f, W_fc1, b_fc1), W_fc2, b_fc2)                 # (B,N,Tsteps,D//2)

    f_distance = jnp.linalg.norm(x_nei_2d, axis=-1)                    # (B,N,OBS)
    f_angle = jnp.arctan2(x_nei_2d[..., 0], x_nei_2d[..., 1])
    f_angle = f_angle % (2.0 * np.pi)
    f_distance = f_distance[..., ::2]                                  # (B,N,Tsteps)
    f_angle = f_angle[..., ::2]

    partition_id = (f_angle / (2.0 * np.pi / PARTITIONS)).astype(jnp.int32)

    steps = OBS
    Tsteps = OBS // 2
    interval = steps // Tsteps
    valid_mask = (jnp.sum(x_nei_2d, axis=-1) != 0).astype(jnp.int32)   # (B,N,OBS)
    valid_mask = valid_mask[..., ::interval]                           # (B,N,Tsteps)
    non_self_mask = (jnp.sum(x_nei_2d[..., -1, :], axis=-1) != 0).astype(jnp.int32)[..., None]
    valid_mask = valid_mask * non_self_mask
    partition_id = partition_id * valid_mask + (-1) * (1 - valid_mask)

    positions = []
    re_partitions = []
    for _p in range(PARTITIONS):
        _mask = (partition_id == _p).astype(jnp.float32)               # (B,N,Tsteps)
        _mask_count = jnp.sum(_mask, axis=-2)                          # (B,Tsteps)
        n = _mask_count + 0.0001
        pos_d = jnp.sum(f_distance * _mask, axis=-2) / n
        pos_a = jnp.sum(f_angle * _mask, axis=-2) / n
        positions.append(jnp.stack([pos_d, pos_a], axis=-1))           # (B,Tsteps,2)
        re_partitions.append(jnp.sum(f_re * _mask[..., None], axis=-3) / n[..., None])

    positions = jnp.stack(positions, axis=-2)                          # (B,Tsteps,P,2)
    re_partitions = jnp.stack(re_partitions, axis=-2)                  # (B,Tsteps,P,D//2)

    f_pos = dense(positions, W_ce, b_ce)                               # (B,Tsteps,P,D//2)
    re_matrix = jnp.concatenate([re_partitions, f_pos], axis=-1)       # (B,Tsteps,P,D)
    return (re_matrix, f_re)

if __name__ == "__main__":
    import jax
    _d = setup_inputs()
    print(jax.jit(kernel)(*tuple(_d.values())))

</pallas_src>

<mosaic_0001>
module attributes {stable_mosaic.version = 14 : i64} {
  func.func @_rl_kernel(%arg0: i32, %arg1: memref<8x16xf32, #tpu.memory_space<vmem>>, %arg2: memref<512x16xf32, #tpu.memory_space<vmem>>, %arg3: memref<512x8xf32, #tpu.memory_space<vmem>>, %arg4: memref<16x256xf32, #tpu.memory_space<vmem>>, %arg5: memref<1x256xf32, #tpu.memory_space<vmem>>, %arg6: memref<64x64xf32, #tpu.memory_space<vmem>>, %arg7: memref<1x64xf32, #tpu.memory_space<vmem>>, %arg8: memref<64x64xf32, #tpu.memory_space<vmem>>, %arg9: memref<1x64xf32, #tpu.memory_space<vmem>>, %arg10: memref<2x64xf32, #tpu.memory_space<vmem>>, %arg11: memref<1x64xf32, #tpu.memory_space<vmem>>, %arg12: memref<512x4x64xf32, #tpu.memory_space<vmem>>, %arg13: memref<8x32x128xf32, #tpu.memory_space<vmem>>) attributes {dimension_semantics = [#tpu.dimension_semantics<arbitrary>], iteration_bounds = array<i64: 256>, scalar_prefetch = 0 : i64, scratch_operands = 0 : i64, tpu.core_type = #tpu.core_type<tc>, window_params = [{transform_indices = @transform_0, window_bounds = array<i64: 8, 16>}, {transform_indices = @transform_1, window_bounds = array<i64: 512, 16>}, {transform_indices = @transform_2, window_bounds = array<i64: 512, 8>}, {pipeline_mode = #tpu.pipeline_mode<synchronous>, transform_indices = @transform_3, window_bounds = array<i64: 16, 256>}, {pipeline_mode = #tpu.pipeline_mode<synchronous>, transform_indices = @transform_4, window_bounds = array<i64: 1, 256>}, {pipeline_mode = #tpu.pipeline_mode<synchronous>, transform_indices = @transform_5, window_bounds = array<i64: 64, 64>}, {pipeline_mode = #tpu.pipeline_mode<synchronous>, transform_indices = @transform_6, window_bounds = array<i64: 1, 64>}, {pipeline_mode = #tpu.pipeline_mode<synchronous>, transform_indices = @transform_7, window_bounds = array<i64: 64, 64>}, {pipeline_mode = #tpu.pipeline_mode<synchronous>, transform_indices = @transform_8, window_bounds = array<i64: 1, 64>}, {pipeline_mode = #tpu.pipeline_mode<synchronous>, transform_indices = @transform_9, window_bounds = array<i64: 2, 64>}, {pipeline_mode = #tpu.pipeline_mode<synchronous>, transform_indices = @transform_10, window_bounds = array<i64: 1, 64>}, {transform_indices = @transform_11, window_bounds = array<i64: 512, 4, 64>}, {transform_indices = @transform_12, window_bounds = array<i64: 8, 32, 128>}]} {
    %get3A = arith.constant 0 : index
    %get3A_0 = arith.constant 0 : index
    %get3A_1 = vector.load %arg4[%get3A, %get3A_0] : memref<16x256xf32, #tpu.memory_space<vmem>>, vector<16x256xf32>
    %convert_element_type3A = arith.truncf %get3A_1 : vector<16x256xf32> to vector<16x256xbf16>
    %get3A_2 = arith.constant 0 : index
    %get3A_3 = arith.constant 0 : index
    %get3A_4 = vector.load %arg5[%get3A_2, %get3A_3] : memref<1x256xf32, #tpu.memory_space<vmem>>, vector<1x256xf32>
    %get3A_5 = arith.constant 0 : index
    %get3A_6 = arith.constant 0 : index
    %get3A_7 = vector.load %arg6[%get3A_5, %get3A_6] : memref<64x64xf32, #tpu.memory_space<vmem>>, vector<64x64xf32>
    %convert_element_type3A_8 = arith.truncf %get3A_7 : vector<64x64xf32> to vector<64x64xbf16>
    %get3A_9 = arith.constant 0 : index
    %get3A_10 = arith.constant 0 : index
    %get3A_11 = vector.load %arg8[%get3A_9, %get3A_10] : memref<64x64xf32, #tpu.memory_space<vmem>>, vector<64x64xf32>
    %convert_element_type3A_12 = arith.truncf %get3A_11 : vector<64x64xf32> to vector<64x64xbf16>
    %get3A_13 = arith.constant 0 : index
    %get3A_14 = arith.constant 0 : index
    %get3A_15 = vector.load %arg7[%get3A_13, %get3A_14] : memref<1x64xf32, #tpu.memory_space<vmem>>, vector<1x64xf32>
    %get3A_16 = arith.constant 0 : index
    %get3A_17 = arith.constant 0 : index
    %get3A_18 = vector.load %arg9[%get3A_16, %get3A_17] : memref<1x64xf32, #tpu.memory_space<vmem>>, vector<1x64xf32>
    %get3A_19 = arith.constant 0 : index
    %get3A_20 = arith.constant 0 : index
    %get3A_21 = vector.load %arg10[%get3A_19, %get3A_20] : memref<2x64xf32, #tpu.memory_space<vmem>>, vector<2x64xf32>
    %get3A_22 = arith.constant 0 : index
    %get3A_23 = arith.constant 0 : index
    %get3A_24 = vector.load %arg11[%get3A_22, %get3A_23] : memref<1x64xf32, #tpu.memory_space<vmem>>, vector<1x64xf32>
    %get3A_25 = arith.constant 0 : index
    %get3A_26 = arith.constant 0 : index
    %get3A_27 = vector.load %arg2[%get3A_25, %get3A_26] : memref<512x16xf32, #tpu.memory_space<vmem>>, vector<512x16xf32>
    %get3A_28 = arith.constant 0 : index
    %get3A_29 = arith.constant 0 : index
    %get3A_30 = vector.load %arg3[%get3A_28, %get3A_29] : memref<512x8xf32, #tpu.memory_space<vmem>>, vector<512x8xf32>
    %get3A_31 = arith.constant 0 : index
    %get3A_32 = arith.constant 0 : index
    %get3A_33 = vector.load %arg1[%get3A_31, %get3A_32] : memref<8x16xf32, #tpu.memory_space<vmem>>, vector<8x16xf32>
    %convert_element_type3A_34 = arith.truncf %get3A_33 : vector<8x16xf32> to vector<8x16xbf16>
    %dot_general3A = arith.constant dense<0.000000e+00> : vector<8x256xf32>
    %dot_general3A_35 = tpu.matmul %convert_element_type3A_34, %convert_element_type3A, %dot_general3A {dimension_numbers = #tpu.dot_dimension_numbers<[1], [0], [0], [1], [0, 0, 1, 1], [], []>, transpose_lhs_hint = false} : vector<8x16xbf16>, vector<16x256xbf16>, vector<8x256xf32> -> vector<8x256xf32>
    %add3A = vector.broadcast %get3A_4 : vector<1x256xf32> to vector<8x256xf32>
    %add3A_36 = arith.addf %dot_general3A_35, %add3A : vector<8x256xf32>
    %max3A = arith.constant 0.000000e+00 : f32
    %max3A_37 = vector.broadcast %max3A : f32 to vector<8x256xf32>
    %max3A_38 = arith.maximumf %add3A_36, %max3A_37 : vector<8x256xf32>
    %convert_element_type3A_39 = arith.truncf %get3A_27 : vector<512x16xf32> to vector<512x16xbf16>
    %dot_general3A_40 = arith.constant dense<0.000000e+00> : vector<512x256xf32>
    %dot_general3A_41 = tpu.matmul %convert_element_type3A_39, %convert_element_type3A, %dot_general3A_40 {dimension_numbers = #tpu.dot_dimension_numbers<[1], [0], [0], [1], [0, 0, 1, 1], [], []>, transpose_lhs_hint = false} : vector<512x16xbf16>, vector<16x256xbf16>, vector<512x256xf32> -> vector<512x256xf32>
    %add3A_42 = vector.broadcast %get3A_4 : vector<1x256xf32> to vector<512x256xf32>
    %add3A_43 = arith.addf %dot_general3A_41, %add3A_42 : vector<512x256xf32>
    %max3A_44 = arith.constant 0.000000e+00 : f32
    %max3A_45 = vector.broadcast %max3A_44 : f32 to vector<512x256xf32>
    %max3A_46 = arith.maximumf %add3A_43, %max3A_45 : vector<512x256xf32>
    %reshape3A = vector.shape_cast %max3A_46 : vector<512x256xf32> to vector<8x64x256xf32>
    %broadcast_in_dim3A = vector.shape_cast %max3A_38 : vector<8x256xf32> to vector<8x1x256xf32>
    %mul3A = vector.broadcast %broadcast_in_dim3A : vector<8x1x256xf32> to vector<8x64x256xf32>
    %mul3A_47 = arith.mulf %reshape3A, %mul3A : vector<8x64x256xf32>
    %reshape3A_48 = vector.shape_cast %mul3A_47 : vector<8x64x256xf32> to vector<512x256xf32>
    %slice3A = vector.extract_strided_slice %get3A_30 {offsets = [0, 0], sizes = [512, 4], strides = [1, 1]} : vector<512x8xf32> to vector<512x4xf32>
    %slice3A_49 = vector.extract_strided_slice %get3A_30 {offsets = [0, 4], sizes = [512, 4], strides = [1, 1]} : vector<512x8xf32> to vector<512x4xf32>
    %mul3A_50 = arith.mulf %slice3A, %slice3A : vector<512x4xf32>
    %mul3A_51 = arith.mulf %slice3A_49, %slice3A_49 : vector<512x4xf32>
    %add3A_52 = arith.addf %mul3A_50, %mul3A_51 : vector<512x4xf32>
    %sqrt3A = math.sqrt %add3A_52 : vector<512x4xf32>
    %atan23A = math.atan2 %slice3A, %slice3A_49 : vector<512x4xf32>
    %lt3A = arith.constant 0.000000e+00 : f32
    %lt3A_53 = vector.broadcast %lt3A : f32 to vector<512x4xf32>
    %lt3A_54 = arith.cmpf olt, %atan23A, %lt3A_53 : vector<512x4xf32>
    %add3A_55 = arith.constant 6.28318548 : f32
    %add3A_56 = vector.broadcast %add3A_55 : f32 to vector<512x4xf32>
    %add3A_57 = arith.addf %atan23A, %add3A_56 : vector<512x4xf32>
    %select_n3A = arith.select %lt3A_54, %add3A_57, %atan23A : vector<512x4xi1>, vector<512x4xf32>
    %div3A = arith.constant 0.785398185 : f32
    %div3A_58 = vector.broadcast %div3A : f32 to vector<512x4xf32>
    %div3A_59 = arith.divf %select_n3A, %div3A_58 : vector<512x4xf32>
    %convert_element_type3A_60 = arith.fptosi %div3A_59 : vector<512x4xf32> to vector<512x4xi32>
    %slice3A_61 = vector.extract_strided_slice %get3A_27 {offsets = [0, 14], sizes = [512, 1], strides = [1, 1]} : vector<512x16xf32> to vector<512x1xf32>
    %slice3A_62 = vector.extract_strided_slice %get3A_27 {offsets = [0, 15], sizes = [512, 1], strides = [1, 1]} : vector<512x16xf32> to vector<512x1xf32>
    %add3A_63 = arith.addf %slice3A_61, %slice3A_62 : vector<512x1xf32>
    %ne3A = arith.constant 0.000000e+00 : f32
    %ne3A_64 = vector.broadcast %ne3A : f32 to vector<512x1xf32>
    %ne3A_65 = arith.cmpf one, %add3A_63, %ne3A_64 : vector<512x1xf32>
    %add3A_66 = arith.addf %slice3A, %slice3A_49 : vector<512x4xf32>
    %ne3A_67 = arith.constant 0.000000e+00 : f32
    %ne3A_68 = vector.broadcast %ne3A_67 : f32 to vector<512x4xf32>
    %ne3A_69 = arith.cmpf one, %add3A_66, %ne3A_68 : vector<512x4xf32>
    %and3A = vector.broadcast %ne3A_65 : vector<512x1xi1> to vector<512x4xi1>
    %and3A_70 = arith.andi %ne3A_69, %and3A : vector<512x4xi1>
    %jit3A = arith.constant -1 : i32
    %broadcast_in_dim3A_71 = vector.broadcast %jit3A : i32 to vector<512x4xi32>
    %select_n3A_72 = arith.select %and3A_70, %convert_element_type3A_60, %broadcast_in_dim3A_71 : vector<512x4xi1>, vector<512x4xi32>
    %iota3A = tpu.iota {dimensions = array<i32: 0>} : vector<512x1xi32>
    %jit3A_73 = arith.constant 64 : i32
    %div3A_74 = vector.broadcast %jit3A_73 : i32 to vector<512x1xi32>
    %div3A_75 = arith.divsi %iota3A, %div3A_74 : vector<512x1xi32>
    %sign3A = arith.constant 0 : i32
    %sign3A_76 = vector.broadcast %sign3A : i32 to vector<512x1xi32>
    %sign3A_77 = arith.cmpi sgt, %iota3A, %sign3A_76 : vector<512x1xi32>
    %sign3A_78 = arith.extui %sign3A_77 : vector<512x1xi1> to vector<512x1xi32>
    %sign3A_79 = arith.constant 0 : i32
    %sign3A_80 = vector.broadcast %sign3A_79 : i32 to vector<512x1xi32>
    %sign3A_81 = arith.cmpi slt, %iota3A, %sign3A_80 : vector<512x1xi32>
    %sign3A_82 = arith.extui %sign3A_81 : vector<512x1xi1> to vector<512x1xi32>
    %sign3A_83 = arith.subi %sign3A_78, %sign3A_82 : vector<512x1xi32>
    %sign3A_84 = arith.constant 0 : i32
    %sign3A_85 = arith.cmpi sgt, %jit3A_73, %sign3A_84 : i32
    %sign3A_86 = arith.extui %sign3A_85 : i1 to i32
    %sign3A_87 = arith.constant 0 : i32
    %sign3A_88 = arith.cmpi slt, %jit3A_73, %sign3A_87 : i32
    %sign3A_89 = arith.extui %sign3A_88 : i1 to i32
    %sign3A_90 = arith.subi %sign3A_86, %sign3A_89 : i32
    %ne3A_91 = vector.broadcast %sign3A_90 : i32 to vector<512x1xi32>
    %ne3A_92 = arith.cmpi ne, %sign3A_83, %ne3A_91 : vector<512x1xi32>
    %rem3A = vector.broadcast %jit3A_73 : i32 to vector<512x1xi32>
    %rem3A_93 = arith.remsi %iota3A, %rem3A : vector<512x1xi32>
    %ne3A_94 = arith.constant 0 : i32
    %ne3A_95 = vector.broadcast %ne3A_94 : i32 to vector<512x1xi32>
    %ne3A_96 = arith.cmpi ne, %rem3A_93, %ne3A_95 : vector<512x1xi32>
    %and3A_97 = arith.andi %ne3A_92, %ne3A_96 : vector<512x1xi1>
    %sub3A = arith.constant 1 : i32
    %sub3A_98 = vector.broadcast %sub3A : i32 to vector<512x1xi32>
    %sub3A_99 = arith.subi %div3A_75, %sub3A_98 : vector<512x1xi32>
    %select_n3A_100 = arith.select %and3A_97, %sub3A_99, %div3A_75 : vector<512x1xi1>, vector<512x1xi32>
    %iota3A_101 = tpu.iota {dimensions = array<i32: 1>} : vector<512x64xi32>
    %broadcast_in_dim3A_102 = arith.constant 1.000000e+00 : f32
    %broadcast_in_dim3A_103 = vector.broadcast %broadcast_in_dim3A_102 : f32 to vector<512x1xf32>
    %slice3A_104 = vector.extract_strided_slice %reshape3A_48 {offsets = [0, 0], sizes = [512, 64], strides = [1, 1]} : vector<512x256xf32> to vector<512x64xf32>
    %convert_element_type3A_105 = arith.truncf %slice3A_104 : vector<512x64xf32> to vector<512x64xbf16>
    %dot_general3A_106 = arith.constant dense<0.000000e+00> : vector<512x64xf32>
    %dot_general3A_107 = tpu.matmul %convert_element_type3A_105, %convert_element_type3A_8, %dot_general3A_106 {dimension_numbers = #tpu.dot_dimension_numbers<[1], [0], [0], [1], [0, 0, 1, 1], [], []>, transpose_lhs_hint = false} : vector<512x64xbf16>, vector<64x64xbf16>, vector<512x64xf32> -> vector<512x64xf32>
    %add3A_108 = vector.broadcast %get3A_15 : vector<1x64xf32> to vector<512x64xf32>
    %add3A_109 = arith.addf %dot_general3A_107, %add3A_108 : vector<512x64xf32>
    %max3A_110 = arith.constant 0.000000e+00 : f32
    %max3A_111 = vector.broadcast %max3A_110 : f32 to vector<512x64xf32>
    %max3A_112 = arith.maximumf %add3A_109, %max3A_111 : vector<512x64xf32>
    %convert_element_type3A_113 = arith.truncf %max3A_112 : vector<512x64xf32> to vector<512x64xbf16>
    %dot_general3A_114 = arith.constant dense<0.000000e+00> : vector<512x64xf32>
    %dot_general3A_115 = tpu.matmul %convert_element_type3A_113, %convert_element_type3A_12, %dot_general3A_114 {dimension_numbers = #tpu.dot_dimension_numbers<[1], [0], [0], [1], [0, 0, 1, 1], [], []>, transpose_lhs_hint = false} : vector<512x64xbf16>, vector<64x64xbf16>, vector<512x64xf32> -> vector<512x64xf32>
    %add3A_116 = vector.broadcast %get3A_18 : vector<1x64xf32> to vector<512x64xf32>
    %add3A_117 = arith.addf %dot_general3A_115, %add3A_116 : vector<512x64xf32>
    %max3A_118 = arith.constant 0.000000e+00 : f32
    %max3A_119 = vector.broadcast %max3A_118 : f32 to vector<512x64xf32>
    %max3A_120 = arith.maximumf %add3A_117, %max3A_119 : vector<512x64xf32>
    %swap3A = arith.constant 0 : index
    %swap3A_121 = arith.constant 0 : index
    %swap3A_122 = arith.constant 0 : index
    %swap3A_123 = vector.load %arg12[%swap3A, %swap3A_121, %swap3A_122] : memref<512x4x64xf32, #tpu.memory_space<vmem>>, vector<512x1x64xf32>
    %swap3A_124 = vector.shape_cast %swap3A_123 : vector<512x1x64xf32> to vector<512x64xf32>
    %swap3A_125 = vector.shape_cast %max3A_120 : vector<512x64xf32> to vector<512x1x64xf32>
    tpu.vector_store %arg12[%swap3A, %swap3A_121, %swap3A_122], %swap3A_125 {strides = array<i32>} : memref<512x4x64xf32, #tpu.memory_space<vmem>>, vector<512x1x64xf32>,
    %slice3A_126 = vector.extract_strided_slice %select_n3A_72 {offsets = [0, 0], sizes = [512, 1], strides = [1, 1]} : vector<512x4xi32> to vector<512x1xi32>
    %ge3A = arith.constant 0 : i32
    %ge3A_127 = vector.broadcast %ge3A : i32 to vector<512x1xi32>
    %ge3A_128 = arith.cmpi sge, %slice3A_126, %ge3A_127 : vector<512x1xi32>
    %mul3A_129 = arith.constant 8 : i32
    %mul3A_130 = vector.broadcast %mul3A_129 : i32 to vector<512x1xi32>
    %mul3A_131 = arith.muli %select_n3A_100, %mul3A_130 : vector<512x1xi32>
    %add3A_132 = arith.addi %mul3A_131, %slice3A_126 : vector<512x1xi32>
    %jit3A_133 = arith.constant -1 : i32
    %broadcast_in_dim3A_134 = vector.broadcast %jit3A_133 : i32 to vector<512x1xi32>
    %select_n3A_135 = arith.select %ge3A_128, %add3A_132, %broadcast_in_dim3A_134 : vector<512x1xi1>, vector<512x1xi32>
    %eq3A = vector.broadcast %select_n3A_135 : vector<512x1xi32> to vector<512x64xi32>
    %eq3A_136 = arith.cmpi eq, %iota3A_101, %eq3A : vector<512x64xi32>
    %slice3A_137 = vector.extract_strided_slice %sqrt3A {offsets = [0, 0], sizes = [512, 1], strides = [1, 1]} : vector<512x4xf32> to vector<512x1xf32>
    %slice3A_138 = vector.extract_strided_slice %select_n3A {offsets = [0, 0], sizes = [512, 1], strides = [1, 1]} : vector<512x4xf32> to vector<512x1xf32>
    %concatenate3A = tpu.concatenate %max3A_120, %slice3A_137, %slice3A_138, %broadcast_in_dim3A_103 in 1 : vector<512x64xf32>, vector<512x1xf32>, vector<512x1xf32>, vector<512x1xf32> -> vector<512x67xf32>
    %convert_element_type3A_139 = arith.extui %eq3A_136 : vector<512x64xi1> to vector<512x64xi32>
    %convert_element_type3A_140 = arith.sitofp %convert_element_type3A_139 : vector<512x64xi32> to vector<512x64xf32>
    %convert_element_type3A_141 = arith.truncf %convert_element_type3A_140 : vector<512x64xf32> to vector<512x64xbf16>
    %convert_element_type3A_142 = arith.truncf %concatenate3A : vector<512x67xf32> to vector<512x67xbf16>
    %dot_general3A_143 = arith.constant dense<0.000000e+00> : vector<64x67xf32>
    %dot_general3A_144 = tpu.matmul %convert_element_type3A_141, %convert_element_type3A_142, %dot_general3A_143 {dimension_numbers = #tpu.dot_dimension_numbers<[0], [0], [1], [1], [0, 1, 1, 1], [], []>, transpose_lhs_hint = false} : vector<512x64xbf16>, vector<512x67xbf16>, vector<64x67xf32> -> vector<64x67xf32>
    %slice3A_145 = vector.extract_strided_slice %dot_general3A_144 {offsets = [0, 66], sizes = [64, 1], strides = [1, 1]} : vector<64x67xf32> to vector<64x1xf32>
    %add3A_146 = arith.constant 9.99999974E-5 : f32
    %add3A_147 = vector.broadcast %add3A_146 : f32 to vector<64x1xf32>
    %add3A_148 = arith.addf %slice3A_145, %add3A_147 : vector<64x1xf32>
    %slice3A_149 = vector.extract_strided_slice %dot_general3A_144 {offsets = [0, 0], sizes = [64, 64], strides = [1, 1]} : vector<64x67xf32> to vector<64x64xf32>
    %div3A_150 = vector.broadcast %add3A_148 : vector<64x1xf32> to vector<64x64xf32>
    %div3A_151 = arith.divf %slice3A_149, %div3A_150 : vector<64x64xf32>
    %slice3A_152 = vector.extract_strided_slice %dot_general3A_144 {offsets = [0, 64], sizes = [64, 1], strides = [1, 1]} : vector<64x67xf32> to vector<64x1xf32>
    %div3A_153 = arith.divf %slice3A_152, %add3A_148 : vector<64x1xf32>
    %slice3A_154 = vector.extract_strided_slice %dot_general3A_144 {offsets = [0, 65], sizes = [64, 1], strides = [1, 1]} : vector<64x67xf32> to vector<64x1xf32>
    %div3A_155 = arith.divf %slice3A_154, %add3A_148 : vector<64x1xf32>
    %slice3A_156 = vector.extract_strided_slice %get3A_21 {offsets = [0, 0], sizes = [1, 64], strides = [1, 1]} : vector<2x64xf32> to vector<1x64xf32>
    %mul3A_157 = vector.broadcast %div3A_153 : vector<64x1xf32> to vector<64x64xf32>
    %mul3A_158 = vector.broadcast %slice3A_156 : vector<1x64xf32> to vector<64x64xf32>
    %mul3A_159 = arith.mulf %mul3A_157, %mul3A_158 : vector<64x64xf32>
    %slice3A_160 = vector.extract_strided_slice %get3A_21 {offsets = [1, 0], sizes = [1, 64], strides = [1, 1]} : vector<2x64xf32> to vector<1x64xf32>
    %mul3A_161 = vector.broadcast %div3A_155 : vector<64x1xf32> to vector<64x64xf32>
    %mul3A_162 = vector.broadcast %slice3A_160 : vector<1x64xf32> to vector<64x64xf32>
    %mul3A_163 = arith.mulf %mul3A_161, %mul3A_162 : vector<64x64xf32>
    %add3A_164 = arith.addf %mul3A_159, %mul3A_163 : vector<64x64xf32>
    %add3A_165 = vector.broadcast %get3A_24 : vector<1x64xf32> to vector<64x64xf32>
    %add3A_166 = arith.addf %add3A_164, %add3A_165 : vector<64x64xf32>
    %max3A_167 = arith.constant 0.000000e+00 : f32
    %max3A_168 = vector.broadcast %max3A_167 : f32 to vector<64x64xf32>
    %max3A_169 = arith.maximumf %add3A_166, %max3A_168 : vector<64x64xf32>
    %concatenate3A_170 = tpu.concatenate %div3A_151, %max3A_169 in 1 : vector<64x64xf32>, vector<64x64xf32> -> vector<64x128xf32>
    %reshape3A_171 = vector.shape_cast %concatenate3A_170 : vector<64x128xf32> to vector<8x8x128xf32>
    %swap3A_172 = arith.constant 0 : index
    %swap3A_173 = arith.constant 0 : index
    %swap3A_174 = arith.constant 0 : index
    %swap3A_175 = vector.load %arg13[%swap3A_172, %swap3A_173, %swap3A_174] : memref<8x32x128xf32, #tpu.memory_space<vmem>>, vector<8x8x128xf32>
    tpu.vector_store %arg13[%swap3A_172, %swap3A_173, %swap3A_174], %reshape3A_171 {strides = array<i32>} : memref<8x32x128xf32, #tpu.memory_space<vmem>>, vector<8x8x128xf32>,
    %slice3A_176 = vector.extract_strided_slice %reshape3A_48 {offsets = [0, 64], sizes = [512, 64], strides = [1, 1]} : vector<512x256xf32> to vector<512x64xf32>
    %convert_element_type3A_177 = arith.truncf %slice3A_176 : vector<512x64xf32> to vector<512x64xbf16>
    %dot_general3A_178 = arith.constant dense<0.000000e+00> : vector<512x64xf32>
    %dot_general3A_179 = tpu.matmul %convert_element_type3A_177, %convert_element_type3A_8, %dot_general3A_178 {dimension_numbers = #tpu.dot_dimension_numbers<[1], [0], [0], [1], [0, 0, 1, 1], [], []>, transpose_lhs_hint = false} : vector<512x64xbf16>, vector<64x64xbf16>, vector<512x64xf32> -> vector<512x64xf32>
    %add3A_180 = vector.broadcast %get3A_15 : vector<1x64xf32> to vector<512x64xf32>
    %add3A_181 = arith.addf %dot_general3A_179, %add3A_180 : vector<512x64xf32>
    %max3A_182 = arith.constant 0.000000e+00 : f32
    %max3A_183 = vector.broadcast %max3A_182 : f32 to vector<512x64xf32>
    %max3A_184 = arith.maximumf %add3A_181, %max3A_183 : vector<512x64xf32>
    %convert_element_type3A_185 = arith.truncf %max3A_184 : vector<512x64xf32> to vector<512x64xbf16>
    %dot_general3A_186 = arith.constant dense<0.000000e+00> : vector<512x64xf32>
    %dot_general3A_187 = tpu.matmul %convert_element_type3A_185, %convert_element_type3A_12, %dot_general3A_186 {dimension_numbers = #tpu.dot_dimension_numbers<[1], [0], [0], [1], [0, 0, 1, 1], [], []>, transpose_lhs_hint = false} : vector<512x64xbf16>, vector<64x64xbf16>, vector<512x64xf32> -> vector<512x64xf32>
    %add3A_188 = vector.broadcast %get3A_18 : vector<1x64xf32> to vector<512x64xf32>
    %add3A_189 = arith.addf %dot_general3A_187, %add3A_188 : vector<512x64xf32>
    %max3A_190 = arith.constant 0.000000e+00 : f32
    %max3A_191 = vector.broadcast %max3A_190 : f32 to vector<512x64xf32>
    %max3A_192 = arith.maximumf %add3A_189, %max3A_191 : vector<512x64xf32>
    %swap3A_193 = arith.constant 0 : index
    %swap3A_194 = arith.constant 1 : index
    %swap3A_195 = arith.constant 0 : index
    %swap3A_196 = vector.load %arg12[%swap3A_193, %swap3A_194, %swap3A_195] : memref<512x4x64xf32, #tpu.memory_space<vmem>>, vector<512x1x64xf32>
    %swap3A_197 = vector.shape_cast %swap3A_196 : vector<512x1x64xf32> to vector<512x64xf32>
    %swap3A_198 = vector.shape_cast %max3A_192 : vector<512x64xf32> to vector<512x1x64xf32>
    tpu.vector_store %arg12[%swap3A_193, %swap3A_194, %swap3A_195], %swap3A_198 {strides = array<i32>} : memref<512x4x64xf32, #tpu.memory_space<vmem>>, vector<512x1x64xf32>,
    %slice3A_199 = vector.extract_strided_slice %select_n3A_72 {offsets = [0, 1], sizes = [512, 1], strides = [1, 1]} : vector<512x4xi32> to vector<512x1xi32>
    %ge3A_200 = arith.constant 0 : i32
    %ge3A_201 = vector.broadcast %ge3A_200 : i32 to vector<512x1xi32>
    %ge3A_202 = arith.cmpi sge, %slice3A_199, %ge3A_201 : vector<512x1xi32>
    %mul3A_203 = arith.constant 8 : i32
    %mul3A_204 = vector.broadcast %mul3A_203 : i32 to vector<512x1xi32>
    %mul3A_205 = arith.muli %select_n3A_100, %mul3A_204 : vector<512x1xi32>
    %add3A_206 = arith.addi %mul3A_205, %slice3A_199 : vector<512x1xi32>
    %jit3A_207 = arith.constant -1 : i32
    %broadcast_in_dim3A_208 = vector.broadcast %jit3A_207 : i32 to vector<512x1xi32>
    %select_n3A_209 = arith.select %ge3A_202, %add3A_206, %broadcast_in_dim3A_208 : vector<512x1xi1>, vector<512x1xi32>
    %eq3A_210 = vector.broadcast %select_n3A_209 : vector<512x1xi32> to vector<512x64xi32>
    %eq3A_211 = arith.cmpi eq, %iota3A_101, %eq3A_210 : vector<512x64xi32>
    %slice3A_212 = vector.extract_strided_slice %sqrt3A {offsets = [0, 1], sizes = [512, 1], strides = [1, 1]} : vector<512x4xf32> to vector<512x1xf32>
    %slice3A_213 = vector.extract_strided_slice %select_n3A {offsets = [0, 1], sizes = [512, 1], strides = [1, 1]} : vector<512x4xf32> to vector<512x1xf32>
    %concatenate3A_214 = tpu.concatenate %max3A_192, %slice3A_212, %slice3A_213, %broadcast_in_dim3A_103 in 1 : vector<512x64xf32>, vector<512x1xf32>, vector<512x1xf32>, vector<512x1xf32> -> vector<512x67xf32>
    %convert_element_type3A_215 = arith.extui %eq3A_211 : vector<512x64xi1> to vector<512x64xi32>
    %convert_element_type3A_216 = arith.sitofp %convert_element_type3A_215 : vector<512x64xi32> to vector<512x64xf32>
    %convert_element_type3A_217 = arith.truncf %convert_element_type3A_216 : vector<512x64xf32> to vector<512x64xbf16>
    %convert_element_type3A_218 = arith.truncf %concatenate3A_214 : vector<512x67xf32> to vector<512x67xbf16>
    %dot_general3A_219 = arith.constant dense<0.000000e+00> : vector<64x67xf32>
    %dot_general3A_220 = tpu.matmul %convert_element_type3A_217, %convert_element_type3A_218, %dot_general3A_219 {dimension_numbers = #tpu.dot_dimension_numbers<[0], [0], [1], [1], [0, 1, 1, 1], [], []>, transpose_lhs_hint = false} : vector<512x64xbf16>, vector<512x67xbf16>, vector<64x67xf32> -> vector<64x67xf32>
    %slice3A_221 = vector.extract_strided_slice %dot_general3A_220 {offsets = [0, 66], sizes = [64, 1], strides = [1, 1]} : vector<64x67xf32> to vector<64x1xf32>
    %add3A_222 = arith.constant 9.99999974E-5 : f32
    %add3A_223 = vector.broadcast %add3A_222 : f32 to vector<64x1xf32>
    %add3A_224 = arith.addf %slice3A_221, %add3A_223 : vector<64x1xf32>
    %slice3A_225 = vector.extract_strided_slice %dot_general3A_220 {offsets = [0, 0], sizes = [64, 64], strides = [1, 1]} : vector<64x67xf32> to vector<64x64xf32>
    %div3A_226 = vector.broadcast %add3A_224 : vector<64x1xf32> to vector<64x64xf32>
    %div3A_227 = arith.divf %slice3A_225, %div3A_226 : vector<64x64xf32>
    %slice3A_228 = vector.extract_strided_slice %dot_general3A_220 {offsets = [0, 64], sizes = [64, 1], strides = [1, 1]} : vector<64x67xf32> to vector<64x1xf32>
    %div3A_229 = arith.divf %slice3A_228, %add3A_224 : vector<64x1xf32>
    %slice3A_230 = vector.extract_strided_slice %dot_general3A_220 {offsets = [0, 65], sizes = [64, 1], strides = [1, 1]} : vector<64x67xf32> to vector<64x1xf32>
    %div3A_231 = arith.divf %slice3A_230, %add3A_224 : vector<64x1xf32>
    %slice3A_232 = vector.extract_strided_slice %get3A_21 {offsets = [0, 0], sizes = [1, 64], strides = [1, 1]} : vector<2x64xf32> to vector<1x64xf32>
    %mul3A_233 = vector.broadcast %div3A_229 : vector<64x1xf32> to vector<64x64xf32>
    %mul3A_234 = vector.broadcast %slice3A_232 : vector<1x64xf32> to vector<64x64xf32>
    %mul3A_235 = arith.mulf %mul3A_233, %mul3A_234 : vector<64x64xf32>
    %slice3A_236 = vector.extract_strided_slice %get3A_21 {offsets = [1, 0], sizes = [1, 64], strides = [1, 1]} : vector<2x64xf32> to vector<1x64xf32>
    %mul3A_237 = vector.broadcast %div3A_231 : vector<64x1xf32> to vector<64x64xf32>
    %mul3A_238 = vector.broadcast %slice3A_236 : vector<1x64xf32> to vector<64x64xf32>
    %mul3A_239 = arith.mulf %mul3A_237, %mul3A_238 : vector<64x64xf32>
    %add3A_240 = arith.addf %mul3A_235, %mul3A_239 : vector<64x64xf32>
    %add3A_241 = vector.broadcast %get3A_24 : vector<1x64xf32> to vector<64x64xf32>
    %add3A_242 = arith.addf %add3A_240, %add3A_241 : vector<64x64xf32>
    %max3A_243 = arith.constant 0.000000e+00 : f32
    %max3A_244 = vector.broadcast %max3A_243 : f32 to vector<64x64xf32>
    %max3A_245 = arith.maximumf %add3A_242, %max3A_244 : vector<64x64xf32>
    %concatenate3A_246 = tpu.concatenate %div3A_227, %max3A_245 in 1 : vector<64x64xf32>, vector<64x64xf32> -> vector<64x128xf32>
    %reshape3A_247 = vector.shape_cast %concatenate3A_246 : vector<64x128xf32> to vector<8x8x128xf32>
    %swap3A_248 = arith.constant 0 : index
    %swap3A_249 = arith.constant 8 : index
    %swap3A_250 = arith.constant 0 : index
    %swap3A_251 = vector.load %arg13[%swap3A_248, %swap3A_249, %swap3A_250] : memref<8x32x128xf32, #tpu.memory_space<vmem>>, vector<8x8x128xf32>
    tpu.vector_store %arg13[%swap3A_248, %swap3A_249, %swap3A_250], %reshape3A_247 {strides = array<i32>} : memref<8x32x128xf32, #tpu.memory_space<vmem>>, vector<8x8x128xf32>,
    %slice3A_252 = vector.extract_strided_slice %reshape3A_48 {offsets = [0, 128], sizes = [512, 64], strides = [1, 1]} : vector<512x256xf32> to vector<512x64xf32>
    %convert_element_type3A_253 = arith.truncf %slice3A_252 : vector<512x64xf32> to vector<512x64xbf16>
    %dot_general3A_254 = arith.constant dense<0.000000e+00> : vector<512x64xf32>
    %dot_general3A_255 = tpu.matmul %convert_element_type3A_253, %convert_element_type3A_8, %dot_general3A_254 {dimension_numbers = #tpu.dot_dimension_numbers<[1], [0], [0], [1], [0, 0, 1, 1], [], []>, transpose_lhs_hint = false} : vector<512x64xbf16>, vector<64x64xbf16>, vector<512x64xf32> -> vector<512x64xf32>
    %add3A_256 = vector.broadcast %get3A_15 : vector<1x64xf32> to vector<512x64xf32>
    %add3A_257 = arith.addf %dot_general3A_255, %add3A_256 : vector<512x64xf32>
    %max3A_258 = arith.constant 0.000000e+00 : f32
    %max3A_259 = vector.broadcast %max3A_258 : f32 to vector<512x64xf32>
    %max3A_260 = arith.maximumf %add3A_257, %max3A_259 : vector<512x64xf32>
    %convert_element_type3A_261 = arith.truncf %max3A_260 : vector<512x64xf32> to vector<512x64xbf16>
    %dot_general3A_262 = arith.constant dense<0.000000e+00> : vector<512x64xf32>
    %dot_general3A_263 = tpu.matmul %convert_element_type3A_261, %convert_element_type3A_12, %dot_general3A_262 {dimension_numbers = #tpu.dot_dimension_numbers<[1], [0], [0], [1], [0, 0, 1, 1], [], []>, transpose_lhs_hint = false} : vector<512x64xbf16>, vector<64x64xbf16>, vector<512x64xf32> -> vector<512x64xf32>
    %add3A_264 = vector.broadcast %get3A_18 : vector<1x64xf32> to vector<512x64xf32>
    %add3A_265 = arith.addf %dot_general3A_263, %add3A_264 : vector<512x64xf32>
    %max3A_266 = arith.constant 0.000000e+00 : f32
    %max3A_267 = vector.broadcast %max3A_266 : f32 to vector<512x64xf32>
    %max3A_268 = arith.maximumf %add3A_265, %max3A_267 : vector<512x64xf32>
    %swap3A_269 = arith.constant 0 : index
    %swap3A_270 = arith.constant 2 : index
    %swap3A_271 = arith.constant 0 : index
    %swap3A_272 = vector.load %arg12[%swap3A_269, %swap3A_270, %swap3A_271] : memref<512x4x64xf32, #tpu.memory_space<vmem>>, vector<512x1x64xf32>
    %swap3A_273 = vector.shape_cast %swap3A_272 : vector<512x1x64xf32> to vector<512x64xf32>
    %swap3A_274 = vector.shape_cast %max3A_268 : vector<512x64xf32> to vector<512x1x64xf32>
    tpu.vector_store %arg12[%swap3A_269, %swap3A_270, %swap3A_271], %swap3A_274 {strides = array<i32>} : memref<512x4x64xf32, #tpu.memory_space<vmem>>, vector<512x1x64xf32>,
    %slice3A_275 = vector.extract_strided_slice %select_n3A_72 {offsets = [0, 2], sizes = [512, 1], strides = [1, 1]} : vector<512x4xi32> to vector<512x1xi32>
    %ge3A_276 = arith.constant 0 : i32
    %ge3A_277 = vector.broadcast %ge3A_276 : i32 to vector<512x1xi32>
    %ge3A_278 = arith.cmpi sge, %slice3A_275, %ge3A_277 : vector<512x1xi32>
    %mul3A_279 = arith.constant 8 : i32
    %mul3A_280 = vector.broadcast %mul3A_279 : i32 to vector<512x1xi32>
    %mul3A_281 = arith.muli %select_n3A_100, %mul3A_280 : vector<512x1xi32>
    %add3A_282 = arith.addi %mul3A_281, %slice3A_275 : vector<512x1xi32>
    %jit3A_283 = arith.constant -1 : i32
    %broadcast_in_dim3A_284 = vector.broadcast %jit3A_283 : i32 to vector<512x1xi32>
    %select_n3A_285 = arith.select %ge3A_278, %add3A_282, %broadcast_in_dim3A_284 : vector<512x1xi1>, vector<512x1xi32>
    %eq3A_286 = vector.broadcast %select_n3A_285 : vector<512x1xi32> to vector<512x64xi32>
    %eq3A_287 = arith.cmpi eq, %iota3A_101, %eq3A_286 : vector<512x64xi32>
    %slice3A_288 = vector.extract_strided_slice %sqrt3A {offsets = [0, 2], sizes = [512, 1], strides = [1, 1]} : vector<512x4xf32> to vector<512x1xf32>
    %slice3A_289 = vector.extract_strided_slice %select_n3A {offsets = [0, 2], sizes = [512, 1], strides = [1, 1]} : vector<512x4xf32> to vector<512x1xf32>
    %concatenate3A_290 = tpu.concatenate %max3A_268, %slice3A_288, %slice3A_289, %broadcast_in_dim3A_103 in 1 : vector<512x64xf32>, vector<512x1xf32>, vector<512x1xf32>, vector<512x1xf32> -> vector<512x67xf32>
    %convert_element_type3A_291 = arith.extui %eq3A_287 : vector<512x64xi1> to vector<512x64xi32>
    %convert_element_type3A_292 = arith.sitofp %convert_element_type3A_291 : vector<512x64xi32> to vector<512x64xf32>
    %convert_element_type3A_293 = arith.truncf %convert_element_type3A_292 : vector<512x64xf32> to vector<512x64xbf16>
    %convert_element_type3A_294 = arith.truncf %concatenate3A_290 : vector<512x67xf32> to vector<512x67xbf16>
    %dot_general3A_295 = arith.constant dense<0.000000e+00> : vector<64x67xf32>
    %dot_general3A_296 = tpu.matmul %convert_element_type3A_293, %convert_element_type3A_294, %dot_general3A_295 {dimension_numbers = #tpu.dot_dimension_numbers<[0], [0], [1], [1], [0, 1, 1, 1], [], []>, transpose_lhs_hint = false} : vector<512x64xbf16>, vector<512x67xbf16>, vector<64x67xf32> -> vector<64x67xf32>
    %slice3A_297 = vector.extract_strided_slice %dot_general3A_296 {offsets = [0, 66], sizes = [64, 1], strides = [1, 1]} : vector<64x67xf32> to vector<64x1xf32>
    %add3A_298 = arith.constant 9.99999974E-5 : f32
    %add3A_299 = vector.broadcast %add3A_298 : f32 to vector<64x1xf32>
    %add3A_300 = arith.addf %slice3A_297, %add3A_299 : vector<64x1xf32>
    %slice3A_301 = vector.extract_strided_slice %dot_general3A_296 {offsets = [0, 0], sizes = [64, 64], strides = [1, 1]} : vector<64x67xf32> to vector<64x64xf32>
    %div3A_302 = vector.broadcast %add3A_300 : vector<64x1xf32> to vector<64x64xf32>
    %div3A_303 = arith.divf %slice3A_301, %div3A_302 : vector<64x64xf32>
    %slice3A_304 = vector.extract_strided_slice %dot_general3A_296 {offsets = [0, 64], sizes = [64, 1], strides = [1, 1]} : vector<64x67xf32> to vector<64x1xf32>
    %div3A_305 = arith.divf %slice3A_304, %add3A_300 : vector<64x1xf32>
    %slice3A_306 = vector.extract_strided_slice %dot_general3A_296 {offsets = [0, 65], sizes = [64, 1], strides = [1, 1]} : vector<64x67xf32> to vector<64x1xf32>
    %div3A_307 = arith.divf %slice3A_306, %add3A_300 : vector<64x1xf32>
    %slice3A_308 = vector.extract_strided_slice %get3A_21 {offsets = [0, 0], sizes = [1, 64], strides = [1, 1]} : vector<2x64xf32> to vector<1x64xf32>
    %mul3A_309 = vector.broadcast %div3A_305 : vector<64x1xf32> to vector<64x64xf32>
    %mul3A_310 = vector.broadcast %slice3A_308 : vector<1x64xf32> to vector<64x64xf32>
    %mul3A_311 = arith.mulf %mul3A_309, %mul3A_310 : vector<64x64xf32>
    %slice3A_312 = vector.extract_strided_slice %get3A_21 {offsets = [1, 0], sizes = [1, 64], strides = [1, 1]} : vector<2x64xf32> to vector<1x64xf32>
    %mul3A_313 = vector.broadcast %div3A_307 : vector<64x1xf32> to vector<64x64xf32>
    %mul3A_314 = vector.broadcast %slice3A_312 : vector<1x64xf32> to vector<64x64xf32>
    %mul3A_315 = arith.mulf %mul3A_313, %mul3A_314 : vector<64x64xf32>
    %add3A_316 = arith.addf %mul3A_311, %mul3A_315 : vector<64x64xf32>
    %add3A_317 = vector.broadcast %get3A_24 : vector<1x64xf32> to vector<64x64xf32>
    %add3A_318 = arith.addf %add3A_316, %add3A_317 : vector<64x64xf32>
    %max3A_319 = arith.constant 0.000000e+00 : f32
    %max3A_320 = vector.broadcast %max3A_319 : f32 to vector<64x64xf32>
    %max3A_321 = arith.maximumf %add3A_318, %max3A_320 : vector<64x64xf32>
    %concatenate3A_322 = tpu.concatenate %div3A_303, %max3A_321 in 1 : vector<64x64xf32>, vector<64x64xf32> -> vector<64x128xf32>
    %reshape3A_323 = vector.shape_cast %concatenate3A_322 : vector<64x128xf32> to vector<8x8x128xf32>
    %swap3A_324 = arith.constant 0 : index
    %swap3A_325 = arith.constant 16 : index
    %swap3A_326 = arith.constant 0 : index
    %swap3A_327 = vector.load %arg13[%swap3A_324, %swap3A_325, %swap3A_326] : memref<8x32x128xf32, #tpu.memory_space<vmem>>, vector<8x8x128xf32>
    tpu.vector_store %arg13[%swap3A_324, %swap3A_325, %swap3A_326], %reshape3A_323 {strides = array<i32>} : memref<8x32x128xf32, #tpu.memory_space<vmem>>, vector<8x8x128xf32>,
    %slice3A_328 = vector.extract_strided_slice %reshape3A_48 {offsets = [0, 192], sizes = [512, 64], strides = [1, 1]} : vector<512x256xf32> to vector<512x64xf32>
    %convert_element_type3A_329 = arith.truncf %slice3A_328 : vector<512x64xf32> to vector<512x64xbf16>
    %dot_general3A_330 = arith.constant dense<0.000000e+00> : vector<512x64xf32>
    %dot_general3A_331 = tpu.matmul %convert_element_type3A_329, %convert_element_type3A_8, %dot_general3A_330 {dimension_numbers = #tpu.dot_dimension_numbers<[1], [0], [0], [1], [0, 0, 1, 1], [], []>, transpose_lhs_hint = false} : vector<512x64xbf16>, vector<64x64xbf16>, vector<512x64xf32> -> vector<512x64xf32>
    %add3A_332 = vector.broadcast %get3A_15 : vector<1x64xf32> to vector<512x64xf32>
    %add3A_333 = arith.addf %dot_general3A_331, %add3A_332 : vector<512x64xf32>
    %max3A_334 = arith.constant 0.000000e+00 : f32
    %max3A_335 = vector.broadcast %max3A_334 : f32 to vector<512x64xf32>
    %max3A_336 = arith.maximumf %add3A_333, %max3A_335 : vector<512x64xf32>
    %convert_element_type3A_337 = arith.truncf %max3A_336 : vector<512x64xf32> to vector<512x64xbf16>
    %dot_general3A_338 = arith.constant dense<0.000000e+00> : vector<512x64xf32>
    %dot_general3A_339 = tpu.matmul %convert_element_type3A_337, %convert_element_type3A_12, %dot_general3A_338 {dimension_numbers = #tpu.dot_dimension_numbers<[1], [0], [0], [1], [0, 0, 1, 1], [], []>, transpose_lhs_hint = false} : vector<512x64xbf16>, vector<64x64xbf16>, vector<512x64xf32> -> vector<512x64xf32>
    %add3A_340 = vector.broadcast %get3A_18 : vector<1x64xf32> to vector<512x64xf32>
    %add3A_341 = arith.addf %dot_general3A_339, %add3A_340 : vector<512x64xf32>
    %max3A_342 = arith.constant 0.000000e+00 : f32
    %max3A_343 = vector.broadcast %max3A_342 : f32 to vector<512x64xf32>
    %max3A_344 = arith.maximumf %add3A_341, %max3A_343 : vector<512x64xf32>
    %swap3A_345 = arith.constant 0 : index
    %swap3A_346 = arith.constant 3 : index
    %swap3A_347 = arith.constant 0 : index
    %swap3A_348 = vector.load %arg12[%swap3A_345, %swap3A_346, %swap3A_347] : memref<512x4x64xf32, #tpu.memory_space<vmem>>, vector<512x1x64xf32>
    %swap3A_349 = vector.shape_cast %swap3A_348 : vector<512x1x64xf32> to vector<512x64xf32>
    %swap3A_350 = vector.shape_cast %max3A_344 : vector<512x64xf32> to vector<512x1x64xf32>
    tpu.vector_store %arg12[%swap3A_345, %swap3A_346, %swap3A_347], %swap3A_350 {strides = array<i32>} : memref<512x4x64xf32, #tpu.memory_space<vmem>>, vector<512x1x64xf32>,
    %slice3A_351 = vector.extract_strided_slice %select_n3A_72 {offsets = [0, 3], sizes = [512, 1], strides = [1, 1]} : vector<512x4xi32> to vector<512x1xi32>
    %ge3A_352 = arith.constant 0 : i32
    %ge3A_353 = vector.broadcast %ge3A_352 : i32 to vector<512x1xi32>
    %ge3A_354 = arith.cmpi sge, %slice3A_351, %ge3A_353 : vector<512x1xi32>
    %mul3A_355 = arith.constant 8 : i32
    %mul3A_356 = vector.broadcast %mul3A_355 : i32 to vector<512x1xi32>
    %mul3A_357 = arith.muli %select_n3A_100, %mul3A_356 : vector<512x1xi32>
    %add3A_358 = arith.addi %mul3A_357, %slice3A_351 : vector<512x1xi32>
    %jit3A_359 = arith.constant -1 : i32
    %broadcast_in_dim3A_360 = vector.broadcast %jit3A_359 : i32 to vector<512x1xi32>
    %select_n3A_361 = arith.select %ge3A_354, %add3A_358, %broadcast_in_dim3A_360 : vector<512x1xi1>, vector<512x1xi32>
    %eq3A_362 = vector.broadcast %select_n3A_361 : vector<512x1xi32> to vector<512x64xi32>
    %eq3A_363 = arith.cmpi eq, %iota3A_101, %eq3A_362 : vector<512x64xi32>
    %slice3A_364 = vector.extract_strided_slice %sqrt3A {offsets = [0, 3], sizes = [512, 1], strides = [1, 1]} : vector<512x4xf32> to vector<512x1xf32>
    %slice3A_365 = vector.extract_strided_slice %select_n3A {offsets = [0, 3], sizes = [512, 1], strides = [1, 1]} : vector<512x4xf32> to vector<512x1xf32>
    %concatenate3A_366 = tpu.concatenate %max3A_344, %slice3A_364, %slice3A_365, %broadcast_in_dim3A_103 in 1 : vector<512x64xf32>, vector<512x1xf32>, vector<512x1xf32>, vector<512x1xf32> -> vector<512x67xf32>
    %convert_element_type3A_367 = arith.extui %eq3A_363 : vector<512x64xi1> to vector<512x64xi32>
    %convert_element_type3A_368 = arith.sitofp %convert_element_type3A_367 : vector<512x64xi32> to vector<512x64xf32>
    %convert_element_type3A_369 = arith.truncf %convert_element_type3A_368 : vector<512x64xf32> to vector<512x64xbf16>
    %convert_element_type3A_370 = arith.truncf %concatenate3A_366 : vector<512x67xf32> to vector<512x67xbf16>
    %dot_general3A_371 = arith.constant dense<0.000000e+00> : vector<64x67xf32>
    %dot_general3A_372 = tpu.matmul %convert_element_type3A_369, %convert_element_type3A_370, %dot_general3A_371 {dimension_numbers = #tpu.dot_dimension_numbers<[0], [0], [1], [1], [0, 1, 1, 1], [], []>, transpose_lhs_hint = false} : vector<512x64xbf16>, vector<512x67xbf16>, vector<64x67xf32> -> vector<64x67xf32>
    %slice3A_373 = vector.extract_strided_slice %dot_general3A_372 {offsets = [0, 66], sizes = [64, 1], strides = [1, 1]} : vector<64x67xf32> to vector<64x1xf32>
    %add3A_374 = arith.constant 9.99999974E-5 : f32
    %add3A_375 = vector.broadcast %add3A_374 : f32 to vector<64x1xf32>
    %add3A_376 = arith.addf %slice3A_373, %add3A_375 : vector<64x1xf32>
    %slice3A_377 = vector.extract_strided_slice %dot_general3A_372 {offsets = [0, 0], sizes = [64, 64], strides = [1, 1]} : vector<64x67xf32> to vector<64x64xf32>
    %div3A_378 = vector.broadcast %add3A_376 : vector<64x1xf32> to vector<64x64xf32>
    %div3A_379 = arith.divf %slice3A_377, %div3A_378 : vector<64x64xf32>
    %slice3A_380 = vector.extract_strided_slice %dot_general3A_372 {offsets = [0, 64], sizes = [64, 1], strides = [1, 1]} : vector<64x67xf32> to vector<64x1xf32>
    %div3A_381 = arith.divf %slice3A_380, %add3A_376 : vector<64x1xf32>
    %slice3A_382 = vector.extract_strided_slice %dot_general3A_372 {offsets = [0, 65], sizes = [64, 1], strides = [1, 1]} : vector<64x67xf32> to vector<64x1xf32>
    %div3A_383 = arith.divf %slice3A_382, %add3A_376 : vector<64x1xf32>
    %slice3A_384 = vector.extract_strided_slice %get3A_21 {offsets = [0, 0], sizes = [1, 64], strides = [1, 1]} : vector<2x64xf32> to vector<1x64xf32>
    %mul3A_385 = vector.broadcast %div3A_381 : vector<64x1xf32> to vector<64x64xf32>
    %mul3A_386 = vector.broadcast %slice3A_384 : vector<1x64xf32> to vector<64x64xf32>
    %mul3A_387 = arith.mulf %mul3A_385, %mul3A_386 : vector<64x64xf32>
    %slice3A_388 = vector.extract_strided_slice %get3A_21 {offsets = [1, 0], sizes = [1, 64], strides = [1, 1]} : vector<2x64xf32> to vector<1x64xf32>
    %mul3A_389 = vector.broadcast %div3A_383 : vector<64x1xf32> to vector<64x64xf32>
    %mul3A_390 = vector.broadcast %slice3A_388 : vector<1x64xf32> to vector<64x64xf32>
    %mul3A_391 = arith.mulf %mul3A_389, %mul3A_390 : vector<64x64xf32>
    %add3A_392 = arith.addf %mul3A_387, %mul3A_391 : vector<64x64xf32>
    %add3A_393 = vector.broadcast %get3A_24 : vector<1x64xf32> to vector<64x64xf32>
    %add3A_394 = arith.addf %add3A_392, %add3A_393 : vector<64x64xf32>
    %max3A_395 = arith.constant 0.000000e+00 : f32
    %max3A_396 = vector.broadcast %max3A_395 : f32 to vector<64x64xf32>
    %max3A_397 = arith.maximumf %add3A_394, %max3A_396 : vector<64x64xf32>
    %concatenate3A_398 = tpu.concatenate %div3A_379, %max3A_397 in 1 : vector<64x64xf32>, vector<64x64xf32> -> vector<64x128xf32>
    %reshape3A_399 = vector.shape_cast %concatenate3A_398 : vector<64x128xf32> to vector<8x8x128xf32>
    %swap3A_400 = arith.constant 0 : index
    %swap3A_401 = arith.constant 24 : index
    %swap3A_402 = arith.constant 0 : index
    %swap3A_403 = vector.load %arg13[%swap3A_400, %swap3A_401, %swap3A_402] : memref<8x32x128xf32, #tpu.memory_space<vmem>>, vector<8x8x128xf32>
    tpu.vector_store %arg13[%swap3A_400, %swap3A_401, %swap3A_402], %reshape3A_399 {strides = array<i32>} : memref<8x32x128xf32, #tpu.memory_space<vmem>>, vector<8x8x128xf32>,
    return
  }
  func.func @transform_0(%arg0: i32) -> (i32, i32) {
    %c0_i32 = arith.constant 0 : i32
    %c0_i32_0 = arith.constant 0 : i32
    return %arg0, %c0_i32 : i32, i32
  }
  func.func @transform_1(%arg0: i32) -> (i32, i32) {
    %c0_i32 = arith.constant 0 : i32
    %c0_i32_0 = arith.constant 0 : i32
    return %arg0, %c0_i32 : i32, i32
  }
  func.func @transform_2(%arg0: i32) -> (i32, i32) {
    %c0_i32 = arith.constant 0 : i32
    %c0_i32_0 = arith.constant 0 : i32
    return %arg0, %c0_i32 : i32, i32
  }
  func.func @transform_3(%arg0: i32) -> (i32, i32) {
    %c0_i32 = arith.constant 0 : i32
    %c0_i32_0 = arith.constant 0 : i32
    %c0_i32_1 = arith.constant 0 : i32
    return %c0_i32, %c0_i32_0 : i32, i32
  }
  func.func @transform_4(%arg0: i32) -> (i32, i32) {
    %c0_i32 = arith.constant 0 : i32
    %c0_i32_0 = arith.constant 0 : i32
    %c0_i32_1 = arith.constant 0 : i32
    return %c0_i32, %c0_i32_0 : i32, i32
  }
  func.func @transform_5(%arg0: i32) -> (i32, i32) {
    %c0_i32 = arith.constant 0 : i32
    %c0_i32_0 = arith.constant 0 : i32
    %c0_i32_1 = arith.constant 0 : i32
    return %c0_i32, %c0_i32_0 : i32, i32
  }
  func.func @transform_6(%arg0: i32) -> (i32, i32) {
    %c0_i32 = arith.constant 0 : i32
    %c0_i32_0 = arith.constant 0 : i32
    %c0_i32_1 = arith.constant 0 : i32
    return %c0_i32, %c0_i32_0 : i32, i32
  }
  func.func @transform_7(%arg0: i32) -> (i32, i32) {
    %c0_i32 = arith.constant 0 : i32
    %c0_i32_0 = arith.constant 0 : i32
    %c0_i32_1 = arith.constant 0 : i32
    return %c0_i32, %c0_i32_0 : i32, i32
  }
  func.func @transform_8(%arg0: i32) -> (i32, i32) {
    %c0_i32 = arith.constant 0 : i32
    %c0_i32_0 = arith.constant 0 : i32
    %c0_i32_1 = arith.constant 0 : i32
    return %c0_i32, %c0_i32_0 : i32, i32
  }
  func.func @transform_9(%arg0: i32) -> (i32, i32) {
    %c0_i32 = arith.constant 0 : i32
    %c0_i32_0 = arith.constant 0 : i32
    %c0_i32_1 = arith.constant 0 : i32
    return %c0_i32, %c0_i32_0 : i32, i32
  }
  func.func @transform_10(%arg0: i32) -> (i32, i32) {
    %c0_i32 = arith.constant 0 : i32
    %c0_i32_0 = arith.constant 0 : i32
    %c0_i32_1 = arith.constant 0 : i32
    return %c0_i32, %c0_i32_0 : i32, i32
  }
  func.func @transform_11(%arg0: i32) -> (i32, i32, i32) {
    %c0_i32 = arith.constant 0 : i32
    %c0_i32_0 = arith.constant 0 : i32
    %c0_i32_1 = arith.constant 0 : i32
    return %arg0, %c0_i32, %c0_i32_0 : i32, i32, i32
  }
  func.func @transform_12(%arg0: i32) -> (i32, i32, i32) {
    %c0_i32 = arith.constant 0 : i32
    %c0_i32_0 = arith.constant 0 : i32
    %c0_i32_1 = arith.constant 0 : i32
    return %arg0, %c0_i32, %c0_i32_0 : i32, i32, i32
  }
}

</mosaic_0001>

<sc_bundles>
// kernel: sparse-core-data-format-call.cloned.1.call-start
scs
called_computation_lowered:
.L_overlay_start_0:
0x0: {  	s2 =	sld [smem:$0x3FD9]  }
0x1: {  	s3 =	sld [smem:$0x3FFE];
	_ =	sdelay $0x1  }
0x2: {  	s1 =	srdreg.scid  }
0x3: {  	s0 =	sand.u32 $0x1, s1  }
0x4: {  	s15 =	sshll.u32 s0, $0xA;
	s2 =	sadd.s32 s3, s2  }
0x5: {  	s2 =	sadd.s32 s2, s15  }
0x6: {  	[smem:$0x3FBE] =	sst s2  }
0x7: {  	_ = 	snop  }
0x8: {  	s2 =	sld [smem:$0x3FD0];
	_ =	sdelay $0x2  }
0x9: {  	s16 =	simm.s32 $0xA;
	s4 =	simm.s32 $0x10  }
0xa: {  	[smem:s4], [sflag:s16] =	dma.local [hbm:s2], $0x1  }
0xb: {  	_ =	swait.eq [sflag:s16], $0x1  }
0xc: {  	[sflag:s16] =	ssyncset.done $0x0  }
0xd: {  	[sflag:s16] =	ssyncadd.s32 $0xFFFFFFFF  }
0xe: {  	s17 =	sld [smem:$0x11];
	(tm) =	ssettm $0x1  }
0xf: {  	s18 =	sld [smem:$0x3FFB];
	_ =	sdelay $0x3  }
0x10: {  	_ =	strace s18  }
0x11: {  	s3 =	sld [smem:$0x3FFC];
	_ =	sdelay $0x3  }
0x12: {  	_ =	strace s3  }
0x13: {  	s3 =	sld [smem:$0x3FFD];
	_ =	sdelay $0x3  }
0x14: {  	_ =	strace s3  }
0x15: {  	_ =	strace $0x8FFFFFFF  }
0x16: {  	s19 =	sld [smem:$0x3FDB];
	_ =	sdelay $0x1  }
0x17: {  	s20 =	simm.s32 $_scs_section_size  }
0x18: {  	s5 =	simm.s32 $_size__tile_overlayer_lowered;
	s6 =	simm.s32 $_tile_overlayer_lowered  }
0x19: {  	s23 =	simm.s32 $0x1BFF;
	s22 =	sshll.u32 s6, $0x1;
	s3 =	sadd.s32 s20, s19  }
0x1a: {  	s7 =	simm.s32 $0x0;
	s21 =	sshll.u32 s5, $0x1;
	s5 =	sadd.s32 s22, s3  }
0x1b: {  	[timem:s7], [sflag:s23] =	dma.local [hbm:s5], s21  }
0x1c: {  	_ =	swait.ge [sflag:s23], s21  }
0x1d: {  	s4 =	ssub.s32 $0x0, s21;
	[sflag:s23] =	ssyncset.done $0x0  }
0x1e: {  	[sflag:s23] =	ssyncadd.s32 s4;
	_ =	sdelay $0x1  }
0x1f: {  	s24 =	simm.s32 $0x1B8B  }
0x20: {  	_ =	swait.ge [sflag:s24], $0x1  }
0x21: {  	[sflag:s24] =	ssyncset.done $0x0  }
0x22: {  	s26 =	simm.s32 $0x1B8E;
	s25 =	sld [smem:$0x3FFE];
	[sflag:s24] =	ssyncadd.s32 $0xFFFFFFFF  }
0x23: {  	s27 =	simm.s32 $execute0_lowered;
	[smem:$0x3FD2] =	sst s26  }
0x24: {  	s5 =	sshll.u32 s27, $0x1;
	_ =	strace $0x80000046;
	[dreg:$0x1] =	wrdreg $0xFFFFFFFF  }
0x25: {  	s28 =	simm.s32 $_size_execute0_lowered;
	s3 =	sadd.s32 s3, s5;
	[dreg:$0x0] =	wrdreg $0x0  }
0x26: {  	s5 =	sshll.u32 s28, $0x1;
	[dreg:$0x2] =	wrdreg s3  }
0x27: {  	[dreg:$0x3] =	wrdreg s5  }
0x28: {  	[dreg:$0x4] =	wrdreg $0xC0  }
0x29: {  	_ =	task [dreg:s7], $0x5FFFF  }
0x2a: {  	[dreg:$0x1] =	wrdreg $0xFFFFFFFF  }
0x2b: {  	[dreg:$0x0] =	wrdreg $0x60  }
0x2c: {  	[dreg:$0x2] =	wrdreg s25  }
0x2d: {  	[dreg:$0x3] =	wrdreg s17  }
0x2e: {  	[dreg:$0x4] =	wrdreg $0x9  }
0x2f: {  	_ =	task.clear_ibuf [dreg:s7], $0x5FFFF;
	_ =	strace $0x90000046  }
0x30: {  	s29 =	simm.s32 $0x9;
	_ =	strace $0x80000048  }
0x31: {  	_ =	swait.ge [sflag:s29], $0x1  }
0x32: {  	[sflag:s29] =	ssyncadd.s32 $0xFFFFFFFF  }
0x33: {  	_ =	strace $0x90000048  }
0x34: {  	_ =	sfence  }
0x35: {  	s30 =	sld [smem:$0x0];
	_ =	sdelay $0x2  }
0x36: {  	s31 =	sshll.u32 s1, $0xD;
	s1 =	sshrl.u32 s1, $0x2  }
0x37: {  	s3 =	sand.u32 $0x4000, s31;
	s1 =	sadd.s32 s1, s30  }
0x38: {  	s0 =	sor.u32 s3, s0;
	s1 =	sshll.u32 s1, $0x11  }
0x39: {  	s0 =	sor.u32 s1, s0  }
0x3a: {  	s0 =	sadd.s32 $0x8F2B, s0  }
0x3b: {  	[sflag:s0] =	ssyncadd.remote.s32 $0x1  }
0x3c: {  	_ =	sfence.sel $0xFFFF  }
0x3d: {  	[dreg:$0x0] =	wrdreg $0xFFFFFFFF;
	(pc) =	sbr.abs _section_cstart, $3  }
0x3e: {  	[dreg:$0x1] =	wrdreg $0xFFFFFFFF  }
0x3f: {  	_ =	task.clear_ibuf [dreg:s7], $0x2FFFF;
	_ =	strace $0x9FFFFFFF  }
0x40: {  	(tm) =	ssettm $0x7FFFFFFF  }
0x41: {  	_ =	shalt  }
tec
execute0_lowered:
.L_overlay_start_1:
0x0: {  	(tag) =	ssettag $0x1  }
0x1: {  	s0 =	stileid.u32  }
0x2: {  	s2 =	srdreg.scid;
	s5 =	rddreg [dreg:$0x0]  }
0x3: {  	s6 =	simm.s32 $0x1;
	s31 =	simm.s32 $0x2;
	s14 =	simm.s32 $0x0  }
0x4: {  	s9 =	simm.s32 $0x4000;
	s16 =	simm.s32 $0x0;
	s1 =	sshll.u32 s0, $0x7  }
0x5: {  	s15 =	simm.s32 $0x0;
	s10 =	simm.s32 $0x0;
	s3 =	ssub.s32 $0x800, s1  }
0x6: {  	s13 =	simm.s32 $0x0;
	s2 =	sand.u32 $0x1, s2;
	s4 =	sand.u32 $0x780, s3  }
0x7: {  	s5 =	sadd.s32 $0x202000, s5;
	s7 =	ssub.s32 $0x40, s2;
	p0 =	sne.s32 s4, $0x0  }
0x8: {  	s3 =	sshrl.u32 s3, $0xB;
	s8 =	sshrl.u32 s7, $0x1;
	s6 =	simm.s32 @!p0 $0x0  }
.Ltmp0:
0x9: {  	s7 =	ssub.s32 s7, s8;
	s6 =	sadd.s32 s6, s3;
	(pc) =	sbr.rel .LBB1_1-.Ltmp0, $4  }
0xa: {  	s11 =	smov.u32 s2;
	s4 =	rddreg [dreg:$0x1];
	s7 =	smul.u32 s6, s7  }
0xb: {  	s3 =	rddreg [dreg:$0x2];
	_ =	strace $0x80000047;
	s6 =	simm.s32 $0x1  }
0xc: {  	s12 =	smov.u32 s1;
	[sflag:s6] =	ssyncpa.u1 $0x0;
	s7 =	sshll.u32 s7, $0x2  }
0xd: {  	p0 =	por $0x0, $0x0;
	[sflag:s31] =	ssyncpa.u1 $0x0;
	s8 =	sor.u32 $0x1, s7  }
.LBB1_4:
0xe: {  	s19 =	sshll.u32 s15, $0x3  }
0xf: {  	s20 =	sand.u32 $0x78, s15;
	s21 =	sand.u32 $0x3F00, s15;
	s16 =	sshll.u32 s16, $0x10  }
0x10: {  	s14 =	sshll.u32 s14, $0xE;
	s19 =	sand.u32 $0x400, s19;
	s30 =	sadd.s32 s4, s21  }
0x11: {  	[tilespmem:s18+$0x810 ss:$0x81] =	vst.msk $0xffff, v2;
	s31 =	sand.u32 $0x7, s15;
	s19 =	sor.u32 s20, s19;
	s16 =	sadd.s32 s16, s30  }
0x12: {  	[tilespmem:s18+$0x1020 ss:$0x81] =	vst.msk $0xffff, v0;
	s15 =	sshll.u32 s31, $0x12;
	s19 =	sshrl.u32 s19, $0x3;
	s14 =	sadd.s32 s14, s16  }
0x13: {  	[tilespmem:s18+$0x0 ss:$0x81] =	vst.msk $0xffff, v1;
	s15 =	sor.u32 $0x400, s15;
	s14 =	sadd.s32 s19, s14  }
0x14: {  	[hbm4b:s14+s15] =	stream.strided.scatter [tilespmem:s17], [sflag:$0x2], $0x2000, s9, s15, $0x20;
	[tilespmem:$0x8080] =	vst v63  }
.LBB1_5:
0x15: {  	s17 =	sadd.s32 $0x1, s10  }
0x16: {  	s14 =	sadd.s32 $0x2, s11;
	s18 =	smov.u32 s11;
	p2 =	sgt.s32 s17, $0x3  }
0x17: {  	s18 =	smov.u32 @p2 s14  }
0x18: {  	s20 =	smov.u32 s12;
	s14 =	sadd.s32 $0x800, s12;
	p3 =	sgt.s32 s18, $0x3F  }
0x19: {  	s20 =	smov.u32 @p3 s14  }
0x1a: {  	s17 =	simm.s32 @p2 $0x0;
	p2 =	sgt.s32 s20, $0x7FF  }
0x1b: {  	p1 =	slt.u32 s13, $0x2;
	s20 =	smov.u32 @p2 s1;
	p2 =	sne.s32 s13, s8  }
.Ltmp1:
0x1c: {  	s19 =	simm.s32 @!p1 $0x2;
	(pc) =	sbr.rel @!p2 .LBB1_6-.Ltmp1, $4  }
0x1d: {  	s16 =	smov.u32 s11;
	s15 =	smov.u32 s12;
	_ =	swait.ge @!p1 [sflag:s19], $0x2000  }
0x1e: {  	p0 =	por !p0, !p0;
	[sflag:s19] =	ssyncset.done @!p1 $0x0;
	s18 =	smov.u32 @p3 s2  }
0x1f: {  	s14 =	smov.u32 s10;
	[sflag:s19] =	ssyncadd.s32 @!p1 $0xFFFFE000;
	s10 =	smov.u32 s17  }
0x20: {  	s11 =	smov.u32 s18;
	s13 =	sadd.s32 $0x1, s13;
	s12 =	smov.u32 s20  }
.LBB1_1:
0x21: {  	p1 =	sge.u32 s13, s7;
	s31 =	sadd.s32 $0xFFFFFFFF, s13  }
0x22: {  	s17 =	sxor.u32 @!p1 $0xFFFFFFFF, s13;
	s18 =	sshll.u32 @!p1 s12, $0xC;
	s19 =	sshll.u32 @!p1 s11, $0x6  }
0x23: {  	s20 =	sshll.u32 @!p1 s10, $0x4;
	s17 =	sshll.u32 @!p1 s17, $0xD;
	s18 =	sadd.s32 @!p1 s5, s18  }
0x24: {  	s20 =	sand.u32 @!p1 $0x30, s20;
	s17 =	sand.u32 @!p1 $0x2000, s17;
	s18 =	sadd.s32 @!p1 s19, s18  }
0x25: {  	s19 =	simm.s32 @!p1 $0x40;
	s18 =	sadd.s32 @!p1 s20, s18;
	s20 =	simm.s32 @!p1 $0x8000  }
0x26: {  	[tilespmem:s17], [sflag:$0x1] =	stream.strided.gather @!p1 [hbm4b:s18+s19], $0x2000, s20, s19, $0x38;
	[tilespmem:$0x8080] =	vst v63  }
0x27: {  	p1 =	sge.u32 s31, s7  }
.Ltmp2:
0x28: {  	_ = 	snop;
	(pc) =	sbr.rel @p1 .LBB1_5-.Ltmp2, $1  }
0x29: {  	_ =	sdelay $0x3  }
0x2a: {  	s17 =	simm.s32 $0x1  }
0x2b: {  	_ =	swait.ge [sflag:s6], $0x2000;
	s17 =	simm.s32 @!p0 $0x0  }
0x2c: {  	[sflag:s6] =	ssyncset.done $0x0;
	s18 =	sshll.u32 s17, $0xD  }
0x2d: {  	[sflag:s6] =	ssyncadd.s32 $0xFFFFE000;
	s21 =	sor.u32 $0x20, s18  }
0x2e: {  	s17 =	smul.u32 $0x8100, s17;
	v3 =	vld [tilespmem:s21+$0x10]  }
0x2f: {  	s30 =	sand.u32 $0x1, s13;
	v2 =	vld [tilespmem:s21+$0xFFFFFFF0]  }
0x30: {  	s18 =	smul.u32 $0x8100, s30;
	s17 =	sshrl.u32 s17, $0x2;
	v0 =	vld [tilespmem:s21+$0x0]  }
0x31: {  	v1 =	vld [tilespmem:s21+$0xFFFFFFE0];
	s19 =	sor.u32 $0x4000, s17  }
0x32: {  	s31 =	sshrl.u32 s18, $0x2;
	s18 =	sadd.s32 $0x0, s19  }
0x33: {  	s20 =	simm.s32 $0x4;
	s21 =	sadd.s32 $0x40, s21;
	s17 =	sor.u32 $0x4000, s31;
	[tilespmem:s18+$0x1830 ss:$0x81] =	vst.msk $0xffff, v3  }
.LBB1_3:
0x34: {  	v3 =	vld [tilespmem:s21+$0x10];
	p1 =	sne.s32 s20, $0x1FC;
	[tilespmem:s18+$0x810 ss:$0x81] =	vst.msk $0xffff, v2;
	s22 =	smov.u32 s20;
	s20 =	sadd.s32 $0x4, s20  }
.Ltmp3:
0x35: {  	v2 =	vld [tilespmem:s21+$0xFFFFFFF0];
	[tilespmem:s18+$0x1020 ss:$0x81] =	vst.msk $0xffff, v0;
	(pc) =	sbr.rel @p1 .LBB1_3-.Ltmp3, $4  }
0x36: {  	v0 =	vld [tilespmem:s21+$0x0];
	[tilespmem:s18+$0x0 ss:$0x81] =	vst.msk $0xffff, v1  }
0x37: {  	s18 =	sshra.s32 s22, $0x2;
	v1 =	vld [tilespmem:s21+$0xFFFFFFE0]  }
0x38: {  	s18 =	sadd.s32 s18, s19  }
0x39: {  	s21 =	sadd.s32 $0x40, s21;
	[tilespmem:s18+$0x1830 ss:$0x81] =	vst.msk $0xffff, v3  }
.Ltmp4:
0x3a: {  	_ = 	snop;
	(pc) =	sbr.rel .LBB1_4-.Ltmp4, $1  }
0x3b: {  	_ =	sdelay $0x3  }
.LBB1_6:
0x3c: {  	_ =	sfence.sel $0x180000  }
0x3d: {  	s1 =	simm.s32 $0x1;
	[bflag:$0x0] =	sbarrier.arrive $0xFFFF  }
0x3e: {  	s31 =	simm.s32 $0x2;
	[sflag:s1] =	ssyncpa.u1 $0x1  }
0x3f: {  	[sflag:s31] =	ssyncpa.u1 $0x1  }
0x40: {  	p0 =	sne.s32 s0, $0x0;
	_ =	strace $0x90000047  }
0x41: {  	s0 =	sadd.s32 @!p0 $0x100000, s3;
	[bflag:$0x2] =	sbarrier.arrive $0xFFFF  }
0x42: {  	[sflag:s0] =	ssyncadd.tile.s32 @!p0 $0x1;
	_ =	shalt  }
.Lfunc_end1:
_tile_overlayer_lowered:
.L_overlay_start_2:
0x43: {  	(tag) =	ssettag $0x2  }
0x44: {  	s0 =	rddreg [dreg:$0x0];
	s2 =	stileid.u32  }
0x45: {  	s1 =	rddreg [dreg:$0x1];
	p0 =	sne.s32 s2, $0x0  }
0x46: {  	s3 =	rddreg [dreg:$0x2];
	[bflag:$0x3] =	sbarrier.arrive $0xFFFF;
	s2 =	simm.s32 @!p0 $0x1C01  }
0x47: {  	[timem:s3], [sflag:s2] =	dma.local @!p0 [hbm:s0], s1  }
0x48: {  	s0 =	simm.s32 @!p0 $0x1  }
0x49: {  	_ =	swait.ge @!p0 [sflag:s0], s1  }
0x4a: {  	s1 =	ssub.s32 @!p0 $0x0, s1;
	[sflag:s0] =	ssyncset.done @!p0 $0x0  }
0x4b: {  	[sflag:s0] =	ssyncadd.s32 @!p0 s1  }
0x4c: {  	[bflag:$0x3] =	sbarrier.arrive $0xFFFF  }
0x4d: {  	_ =	shalt  }

</sc_bundles>
